<compile_context>
chip_gen: v7x
topology: tpu7x:2x2x1
jax: 0.10.2.dev20260603
libtpu: 0.0.44.dev20260713+nightly
codegen_flags: <defaults>
</compile_context>

<pallas_src>
import functools

import jax
import jax.numpy as jnp
from jax import lax
from jax.experimental import pallas as pl
from jax.experimental.pallas import tpu as pltpu
from jax.experimental.pallas import tpu_sc as plsc

A = 3
E = 32
M = 128
V = 1024 * A
N = 4096
S = 200
ROWS = S + A
HALF = S // 2

NC, NS = 2, 16
NW = NC * NS
N_PER_W = N // NW


def _table_body(ev_ref, w_ref, t_ref):
    ev = ev_ref[...]
    for a in range(A):
        t_ref[a] = jnp.dot(ev, w_ref[a], preferred_element_type=jnp.float32)


def _make_table(emb_value, w_r):
    return pl.pallas_call(
        _table_body,
        out_shape=jax.ShapeDtypeStruct((A, V, M), jnp.float32),
    )(emb_value, w_r)


def _sc_gather(table, emb_token, idx):
    mesh = plsc.VectorSubcoreMesh(core_axis_name="c", subcore_axis_name="s")

    @functools.partial(
        pl.kernel,
        out_type=jax.ShapeDtypeStruct((N, ROWS, M), jnp.float32),
        mesh=mesh,
        scratch_types=[
            pltpu.VMEM((2 * A, HALF), jnp.int32),
            pltpu.VMEM((ROWS, M), jnp.float32),
            pltpu.SemaphoreType.DMA,
            pltpu.SemaphoreType.DMA,
        ],
    )
    def k(table_hbm, tok_hbm, idx_hbm, out_hbm, idxb, buf, gsem, osem):
        wid = lax.axis_index("s") * NC + lax.axis_index("c")
        base_n = wid * N_PER_W
        pltpu.sync_copy(tok_hbm, buf.at[pl.ds(0, A)])

        def loop_n(i, carry):
            n = base_n + i
            pltpu.sync_copy(idx_hbm.at[n], idxb)
            for h in range(2):
                dst = buf.at[pl.ds(A + HALF * h, HALF)]
                pltpu.async_copy(table_hbm.at[idxb.at[A * h + 0]], dst, gsem).wait()
                pltpu.async_copy(table_hbm.at[idxb.at[A * h + 1]], dst, gsem, add=True).wait()
                pltpu.async_copy(table_hbm.at[idxb.at[A * h + 2]], dst, gsem, add=True).wait()
            pltpu.async_copy(buf, out_hbm.at[n], osem).wait()
            return carry

        lax.fori_loop(0, N_PER_W, loop_n, 0)

    return k(table, emb_token, idx)


def kernel(coord, emb_token, emb_value, W_proj):
    w_r = W_proj.reshape(M, A, E).transpose(1, 2, 0)
    table = _make_table(emb_value, w_r).reshape(A * V, M)

    coord32 = coord.astype(jnp.int32)
    idx = coord32 + (jnp.arange(A, dtype=jnp.int32) * V)[None, None, :]
    idx = idx.reshape(N, 2, HALF, A).transpose(0, 1, 3, 2).reshape(N, 2 * A, HALF)

    return _sc_gather(table, emb_token, idx)

# --- scband reference (transcript-rebuilt; emitter-appended) ---
"""Pipeline reference for scband-coordinate-embedding-22935125360707 (READ-ONLY COPY).

The authoritative reference and input builder live on the scoring server;
editing this copy changes nothing except your own understanding.
"""

import jax, jax.numpy as jnp
import numpy as np

NUM_AXES = 3
NUM_BITS = 10
NUM_EMBED = 32
NUM_MODEL = 128
NTOKEN = (2 ** NUM_BITS) * NUM_AXES  # dependent_embed=False -> 3072
N, S = 4096, 200


def setup_inputs(seed: int = 0) -> dict:
    key = jax.random.key(seed)
    k1, k2, k3, k4 = jax.random.split(key, 4)
    coord = jax.random.randint(k1, (N, S, NUM_AXES), 0, NTOKEN, dtype=jnp.int64)
    emb_token = jax.random.normal(k2, (3, NUM_MODEL), dtype=jnp.float32)
    emb_value = jax.random.normal(k3, (NTOKEN, NUM_EMBED), dtype=jnp.float32)
    # torch nn.Linear weight shape: [out_features, in_features]
    W_proj = jax.random.normal(k4, (NUM_MODEL, NUM_AXES * NUM_EMBED), dtype=jnp.float32) * (1.0 / np.sqrt(NUM_AXES * NUM_EMBED))
    return {"coord": coord, "emb_token": emb_token, "emb_value": emb_value, "W_proj": W_proj}


def reference(coord, emb_token, emb_value, W_proj):
    n, s, _ = coord.shape
    token = jnp.arange(3, dtype=jnp.int32)
    token_embed = jnp.take(emb_token, token, axis=0)            # [3, num_model]
    token_embed = jnp.broadcast_to(token_embed[None], (n, 3, NUM_MODEL))
    coord_embed = jnp.take(emb_value, coord, axis=0)            # [N, S, A, num_embed]
    coord_embed = coord_embed.reshape(n, s, -1)                 # [N, S, A*num_embed]
    coord_embed = coord_embed @ W_proj.T                        # [N, S, num_model]
    value_embed = jnp.concatenate((token_embed, coord_embed), axis=1)  # [N, 3+S, num_model]
    return value_embed

if __name__ == "__main__":
    import jax
    _d = setup_inputs()
    print(jax.jit(kernel)(*tuple(_d.values())))

</pallas_src>

<mosaic_0001>
#map = affine_map<(d0, d1) -> (0, 0)>
#map1 = affine_map<(d0, d1) -> (0, 0, 0)>
module attributes {stable_mosaic.version = 14 : i64} {
  func.func @k(%arg0: i32, %arg1: i32, %arg2: memref<9216x128xf32, #tpu.memory_space<hbm>>, %arg3: memref<3x128xf32, #tpu.memory_space<hbm>>, %arg4: memref<4096x6x100xi32, #tpu.memory_space<hbm>>, %arg5: memref<4096x203x128xf32, #tpu.memory_space<hbm>>, %arg6: memref<6x100xi32, #tpu.memory_space<vmem>>, %arg7: memref<203x128xf32, #tpu.memory_space<vmem>>, %arg8: memref<!tpu.dma_semaphore, #tpu.memory_space<semaphore_mem>>, %arg9: memref<!tpu.dma_semaphore, #tpu.memory_space<semaphore_mem>>) attributes {dimension_semantics = [#tpu.dimension_semantics<core_parallel>, #tpu.dimension_semantics<subcore_parallel>], iteration_bounds = array<i64: 2, 16>, scalar_prefetch = 0 : i64, scratch_operands = 4 : i64, tpu.core_type = #tpu.core_type<sc_vector_subcore>, window_params = [{transform_indices = #map}, {transform_indices = #map}, {transform_indices = #map1}, {transform_indices = #map1}]} {
    %mul3A = arith.constant 2 : i32
    %mul3A_0 = arith.muli %arg1, %mul3A : i32
    %add3A = arith.addi %mul3A_0, %arg0 : i32
    %mul3A_1 = arith.constant 128 : i32
    %mul3A_2 = arith.muli %add3A, %mul3A_1 : i32
    "tpu.region"() ({
      %run_scoped3A = tpu.sem_alloc : memref<!tpu.dma_semaphore, #tpu.memory_space<semaphore_mem>>
      %dma_start3A = arith.constant 0 : i32
      %dma_start3A_8 = arith.constant 0 : i32
      %dma_start3A_9 = tpu.memref_slice %arg7[%dma_start3A, %dma_start3A_8] : memref<203x128xf32, #tpu.memory_space<vmem>> -> memref<3x128xf32, #tpu.memory_space<vmem>>
      %dma_start3A_10 = arith.constant 0 : i32
      %dma_start3A_11 = arith.constant 0 : i32
      %dma_start3A_12 = tpu.memref_slice %arg7[%dma_start3A_10, %dma_start3A_11] : memref<203x128xf32, #tpu.memory_space<vmem>> -> memref<3x128xf32, #tpu.memory_space<vmem>>
      tpu.enqueue_dma source(%arg3 : memref<3x128xf32, #tpu.memory_space<hbm>>) target(%dma_start3A_12 : memref<3x128xf32, #tpu.memory_space<vmem>>) target_semaphore(%run_scoped3A : memref<!tpu.dma_semaphore, #tpu.memory_space<semaphore_mem>>)
      %dma_wait3A = arith.constant 0 : i32
      %dma_wait3A_13 = arith.constant 0 : i32
      %dma_wait3A_14 = tpu.memref_slice %arg7[%dma_wait3A, %dma_wait3A_13] : memref<203x128xf32, #tpu.memory_space<vmem>> -> memref<3x128xf32, #tpu.memory_space<vmem>>
      %dma_wait3A_15 = arith.constant 0 : i32
      %dma_wait3A_16 = arith.constant 0 : i32
      %dma_wait3A_17 = tpu.memref_slice %arg7[%dma_wait3A_15, %dma_wait3A_16] : memref<203x128xf32, #tpu.memory_space<vmem>> -> memref<3x128xf32, #tpu.memory_space<vmem>>
      tpu.wait_dma2 semaphore(%run_scoped3A : memref<!tpu.dma_semaphore, #tpu.memory_space<semaphore_mem>>) src(%arg3 : memref<3x128xf32, #tpu.memory_space<hbm>>) dst(%dma_wait3A_17 : memref<3x128xf32, #tpu.memory_space<vmem>>)
      tpu.yield
    }) : () -> ()
    %scan3A = arith.constant 0 : i32
    %scan3A_3 = arith.constant 0 : i32
    %scan3A_4 = arith.constant 128 : i32
    %scan3A_5 = arith.addi %scan3A_3, %scan3A_4 : i32
    %scan3A_6 = arith.constant 1 : i32
    scf.for %scan3A_8 = %scan3A_3 to %scan3A_5 step %scan3A_6  : i32 {
      %add3A_9 = arith.addi %mul3A_2, %scan3A_8 : i32
      "tpu.region"() ({
        %run_scoped3A = tpu.sem_alloc : memref<!tpu.dma_semaphore, #tpu.memory_space<semaphore_mem>>
        %dma_start3A_144 = arith.constant 0 : i32
        %dma_start3A_145 = arith.constant 0 : i32
        %dma_start3A_146 = tpu.memref_slice %arg4[%add3A_9, %dma_start3A_144, %dma_start3A_145] : memref<4096x6x100xi32, #tpu.memory_space<hbm>> -> memref<1x6x100xi32, #tpu.memory_space<hbm>>
        %dma_start3A_147 = tpu.memref_squeeze %dma_start3A_146 : memref<1x6x100xi32, #tpu.memory_space<hbm>> -> memref<6x100xi32, #tpu.memory_space<hbm>>
        %dma_start3A_148 = arith.constant 0 : i32
        %dma_start3A_149 = arith.constant 0 : i32
        %dma_start3A_150 = tpu.memref_slice %arg4[%add3A_9, %dma_start3A_148, %dma_start3A_149] : memref<4096x6x100xi32, #tpu.memory_space<hbm>> -> memref<1x6x100xi32, #tpu.memory_space<hbm>>
        %dma_start3A_151 = tpu.memref_squeeze %dma_start3A_150 : memref<1x6x100xi32, #tpu.memory_space<hbm>> -> memref<6x100xi32, #tpu.memory_space<hbm>>
        tpu.enqueue_dma source(%dma_start3A_151 : memref<6x100xi32, #tpu.memory_space<hbm>>) target(%arg6 : memref<6x100xi32, #tpu.memory_space<vmem>>) target_semaphore(%run_scoped3A : memref<!tpu.dma_semaphore, #tpu.memory_space<semaphore_mem>>)
        %dma_wait3A_152 = arith.constant 0 : i32
        %dma_wait3A_153 = arith.constant 0 : i32
        %dma_wait3A_154 = tpu.memref_slice %arg4[%add3A_9, %dma_wait3A_152, %dma_wait3A_153] : memref<4096x6x100xi32, #tpu.memory_space<hbm>> -> memref<1x6x100xi32, #tpu.memory_space<hbm>>
        %dma_wait3A_155 = tpu.memref_squeeze %dma_wait3A_154 : memref<1x6x100xi32, #tpu.memory_space<hbm>> -> memref<6x100xi32, #tpu.memory_space<hbm>>
        %dma_wait3A_156 = arith.constant 0 : i32
        %dma_wait3A_157 = arith.constant 0 : i32
        %dma_wait3A_158 = tpu.memref_slice %arg4[%add3A_9, %dma_wait3A_156, %dma_wait3A_157] : memref<4096x6x100xi32, #tpu.memory_space<hbm>> -> memref<1x6x100xi32, #tpu.memory_space<hbm>>
        %dma_wait3A_159 = tpu.memref_squeeze %dma_wait3A_158 : memref<1x6x100xi32, #tpu.memory_space<hbm>> -> memref<6x100xi32, #tpu.memory_space<hbm>>
        tpu.wait_dma2 semaphore(%run_scoped3A : memref<!tpu.dma_semaphore, #tpu.memory_space<semaphore_mem>>) src(%dma_wait3A_159 : memref<6x100xi32, #tpu.memory_space<hbm>>) dst(%arg6 : memref<6x100xi32, #tpu.memory_space<vmem>>)
        tpu.yield
      }) : () -> ()
      %dma_start3A = arith.constant 0 : i32
      %dma_start3A_10 = arith.constant 3 : i32
      %dma_start3A_11 = arith.constant 0 : i32
      %dma_start3A_12 = tpu.memref_slice %arg7[%dma_start3A_10, %dma_start3A_11] : memref<203x128xf32, #tpu.memory_space<vmem>> -> memref<100x128xf32, #tpu.memory_space<vmem>>
      %dma_start3A_13 = arith.constant 0 : i32
      %dma_start3A_14 = tpu.memref_slice %arg6[%dma_start3A, %dma_start3A_13] : memref<6x100xi32, #tpu.memory_space<vmem>> -> memref<1x100xi32, #tpu.memory_space<vmem>>
      %dma_start3A_15 = tpu.memref_squeeze %dma_start3A_14 : memref<1x100xi32, #tpu.memory_space<vmem>> -> memref<100xi32, #tpu.memory_space<vmem>>
      %dma_start3A_16 = arith.constant 0 : i32
      %dma_start3A_17 = arith.constant 0 : i32
      %dma_start3A_18 = tpu.memref_slice %arg2[%dma_start3A_16, %dma_start3A_17] : memref<9216x128xf32, #tpu.memory_space<hbm>> -> memref<9216x128xf32, #tpu.memory_space<hbm>>
      tpu.enqueue_indirect_dma source(%dma_start3A_18 : memref<9216x128xf32, #tpu.memory_space<hbm>>) target(%dma_start3A_12 : memref<100x128xf32, #tpu.memory_space<vmem>>) offsets(%dma_start3A_15 : memref<100xi32, #tpu.memory_space<vmem>>) semaphore(%arg8 : memref<!tpu.dma_semaphore, #tpu.memory_space<semaphore_mem>>)
      %dma_wait3A = arith.constant 0 : i32
      %dma_wait3A_19 = arith.constant 3 : i32
      %dma_wait3A_20 = arith.constant 0 : i32
      %dma_wait3A_21 = tpu.memref_slice %arg7[%dma_wait3A_19, %dma_wait3A_20] : memref<203x128xf32, #tpu.memory_space<vmem>> -> memref<100x128xf32, #tpu.memory_space<vmem>>
      %dma_wait3A_22 = arith.constant 0 : i32
      %dma_wait3A_23 = tpu.memref_slice %arg6[%dma_wait3A, %dma_wait3A_22] : memref<6x100xi32, #tpu.memory_space<vmem>> -> memref<1x100xi32, #tpu.memory_space<vmem>>
      %dma_wait3A_24 = tpu.memref_squeeze %dma_wait3A_23 : memref<1x100xi32, #tpu.memory_space<vmem>> -> memref<100xi32, #tpu.memory_space<vmem>>
      %dma_wait3A_25 = arith.constant 0 : i32
      %dma_wait3A_26 = arith.constant 0 : i32
      %dma_wait3A_27 = tpu.memref_slice %arg2[%dma_wait3A_25, %dma_wait3A_26] : memref<9216x128xf32, #tpu.memory_space<hbm>> -> memref<9216x128xf32, #tpu.memory_space<hbm>>
      tpu.wait_indirect_dma semaphore(%arg8 : memref<!tpu.dma_semaphore, #tpu.memory_space<semaphore_mem>>) src(%dma_wait3A_27 : memref<9216x128xf32, #tpu.memory_space<hbm>>) dst(%dma_wait3A_21 : memref<100x128xf32, #tpu.memory_space<vmem>>)
      %dma_start3A_28 = arith.constant 1 : i32
      %dma_start3A_29 = arith.constant 3 : i32
      %dma_start3A_30 = arith.constant 0 : i32
      %dma_start3A_31 = tpu.memref_slice %arg7[%dma_start3A_29, %dma_start3A_30] : memref<203x128xf32, #tpu.memory_space<vmem>> -> memref<100x128xf32, #tpu.memory_space<vmem>>
      %dma_start3A_32 = arith.constant 0 : i32
      %dma_start3A_33 = tpu.memref_slice %arg6[%dma_start3A_28, %dma_start3A_32] : memref<6x100xi32, #tpu.memory_space<vmem>> -> memref<1x100xi32, #tpu.memory_space<vmem>>
      %dma_start3A_34 = tpu.memref_squeeze %dma_start3A_33 : memref<1x100xi32, #tpu.memory_space<vmem>> -> memref<100xi32, #tpu.memory_space<vmem>>
      %dma_start3A_35 = arith.constant 0 : i32
      %dma_start3A_36 = arith.constant 0 : i32
      %dma_start3A_37 = tpu.memref_slice %arg2[%dma_start3A_35, %dma_start3A_36] : memref<9216x128xf32, #tpu.memory_space<hbm>> -> memref<9216x128xf32, #tpu.memory_space<hbm>>
      tpu.enqueue_indirect_dma source(%dma_start3A_37 : memref<9216x128xf32, #tpu.memory_space<hbm>>) target(%dma_start3A_31 : memref<100x128xf32, #tpu.memory_space<vmem>>) offsets(%dma_start3A_34 : memref<100xi32, #tpu.memory_space<vmem>>) semaphore(%arg8 : memref<!tpu.dma_semaphore, #tpu.memory_space<semaphore_mem>>) {add = true}
      %dma_wait3A_38 = arith.constant 1 : i32
      %dma_wait3A_39 = arith.constant 3 : i32
      %dma_wait3A_40 = arith.constant 0 : i32
      %dma_wait3A_41 = tpu.memref_slice %arg7[%dma_wait3A_39, %dma_wait3A_40] : memref<203x128xf32, #tpu.memory_space<vmem>> -> memref<100x128xf32, #tpu.memory_space<vmem>>
      %dma_wait3A_42 = arith.constant 0 : i32
      %dma_wait3A_43 = tpu.memref_slice %arg6[%dma_wait3A_38, %dma_wait3A_42] : memref<6x100xi32, #tpu.memory_space<vmem>> -> memref<1x100xi32, #tpu.memory_space<vmem>>
      %dma_wait3A_44 = tpu.memref_squeeze %dma_wait3A_43 : memref<1x100xi32, #tpu.memory_space<vmem>> -> memref<100xi32, #tpu.memory_space<vmem>>
      %dma_wait3A_45 = arith.constant 0 : i32
      %dma_wait3A_46 = arith.constant 0 : i32
      %dma_wait3A_47 = tpu.memref_slice %arg2[%dma_wait3A_45, %dma_wait3A_46] : memref<9216x128xf32, #tpu.memory_space<hbm>> -> memref<9216x128xf32, #tpu.memory_space<hbm>>
      tpu.wait_indirect_dma semaphore(%arg8 : memref<!tpu.dma_semaphore, #tpu.memory_space<semaphore_mem>>) src(%dma_wait3A_47 : memref<9216x128xf32, #tpu.memory_space<hbm>>) dst(%dma_wait3A_41 : memref<100x128xf32, #tpu.memory_space<vmem>>)
      %dma_start3A_48 = arith.constant 2 : i32
      %dma_start3A_49 = arith.constant 3 : i32
      %dma_start3A_50 = arith.constant 0 : i32
      %dma_start3A_51 = tpu.memref_slice %arg7[%dma_start3A_49, %dma_start3A_50] : memref<203x128xf32, #tpu.memory_space<vmem>> -> memref<100x128xf32, #tpu.memory_space<vmem>>
      %dma_start3A_52 = arith.constant 0 : i32
      %dma_start3A_53 = tpu.memref_slice %arg6[%dma_start3A_48, %dma_start3A_52] : memref<6x100xi32, #tpu.memory_space<vmem>> -> memref<1x100xi32, #tpu.memory_space<vmem>>
      %dma_start3A_54 = tpu.memref_squeeze %dma_start3A_53 : memref<1x100xi32, #tpu.memory_space<vmem>> -> memref<100xi32, #tpu.memory_space<vmem>>
      %dma_start3A_55 = arith.constant 0 : i32
      %dma_start3A_56 = arith.constant 0 : i32
      %dma_start3A_57 = tpu.memref_slice %arg2[%dma_start3A_55, %dma_start3A_56] : memref<9216x128xf32, #tpu.memory_space<hbm>> -> memref<9216x128xf32, #tpu.memory_space<hbm>>
      tpu.enqueue_indirect_dma source(%dma_start3A_57 : memref<9216x128xf32, #tpu.memory_space<hbm>>) target(%dma_start3A_51 : memref<100x128xf32, #tpu.memory_space<vmem>>) offsets(%dma_start3A_54 : memref<100xi32, #tpu.memory_space<vmem>>) semaphore(%arg8 : memref<!tpu.dma_semaphore, #tpu.memory_space<semaphore_mem>>) {add = true}
      %dma_wait3A_58 = arith.constant 2 : i32
      %dma_wait3A_59 = arith.constant 3 : i32
      %dma_wait3A_60 = arith.constant 0 : i32
      %dma_wait3A_61 = tpu.memref_slice %arg7[%dma_wait3A_59, %dma_wait3A_60] : memref<203x128xf32, #tpu.memory_space<vmem>> -> memref<100x128xf32, #tpu.memory_space<vmem>>
      %dma_wait3A_62 = arith.constant 0 : i32
      %dma_wait3A_63 = tpu.memref_slice %arg6[%dma_wait3A_58, %dma_wait3A_62] : memref<6x100xi32, #tpu.memory_space<vmem>> -> memref<1x100xi32, #tpu.memory_space<vmem>>
      %dma_wait3A_64 = tpu.memref_squeeze %dma_wait3A_63 : memref<1x100xi32, #tpu.memory_space<vmem>> -> memref<100xi32, #tpu.memory_space<vmem>>
      %dma_wait3A_65 = arith.constant 0 : i32
      %dma_wait3A_66 = arith.constant 0 : i32
      %dma_wait3A_67 = tpu.memref_slice %arg2[%dma_wait3A_65, %dma_wait3A_66] : memref<9216x128xf32, #tpu.memory_space<hbm>> -> memref<9216x128xf32, #tpu.memory_space<hbm>>
      tpu.wait_indirect_dma semaphore(%arg8 : memref<!tpu.dma_semaphore, #tpu.memory_space<semaphore_mem>>) src(%dma_wait3A_67 : memref<9216x128xf32, #tpu.memory_space<hbm>>) dst(%dma_wait3A_61 : memref<100x128xf32, #tpu.memory_space<vmem>>)
      %dma_start3A_68 = arith.constant 3 : i32
      %dma_start3A_69 = arith.constant 103 : i32
      %dma_start3A_70 = arith.constant 0 : i32
      %dma_start3A_71 = tpu.memref_slice %arg7[%dma_start3A_69, %dma_start3A_70] : memref<203x128xf32, #tpu.memory_space<vmem>> -> memref<100x128xf32, #tpu.memory_space<vmem>>
      %dma_start3A_72 = arith.constant 0 : i32
      %dma_start3A_73 = tpu.memref_slice %arg6[%dma_start3A_68, %dma_start3A_72] : memref<6x100xi32, #tpu.memory_space<vmem>> -> memref<1x100xi32, #tpu.memory_space<vmem>>
      %dma_start3A_74 = tpu.memref_squeeze %dma_start3A_73 : memref<1x100xi32, #tpu.memory_space<vmem>> -> memref<100xi32, #tpu.memory_space<vmem>>
      %dma_start3A_75 = arith.constant 0 : i32
      %dma_start3A_76 = arith.constant 0 : i32
      %dma_start3A_77 = tpu.memref_slice %arg2[%dma_start3A_75, %dma_start3A_76] : memref<9216x128xf32, #tpu.memory_space<hbm>> -> memref<9216x128xf32, #tpu.memory_space<hbm>>
      tpu.enqueue_indirect_dma source(%dma_start3A_77 : memref<9216x128xf32, #tpu.memory_space<hbm>>) target(%dma_start3A_71 : memref<100x128xf32, #tpu.memory_space<vmem>>) offsets(%dma_start3A_74 : memref<100xi32, #tpu.memory_space<vmem>>) semaphore(%arg8 : memref<!tpu.dma_semaphore, #tpu.memory_space<semaphore_mem>>)
      %dma_wait3A_78 = arith.constant 3 : i32
      %dma_wait3A_79 = arith.constant 103 : i32
      %dma_wait3A_80 = arith.constant 0 : i32
      %dma_wait3A_81 = tpu.memref_slice %arg7[%dma_wait3A_79, %dma_wait3A_80] : memref<203x128xf32, #tpu.memory_space<vmem>> -> memref<100x128xf32, #tpu.memory_space<vmem>>
      %dma_wait3A_82 = arith.constant 0 : i32
      %dma_wait3A_83 = tpu.memref_slice %arg6[%dma_wait3A_78, %dma_wait3A_82] : memref<6x100xi32, #tpu.memory_space<vmem>> -> memref<1x100xi32, #tpu.memory_space<vmem>>
      %dma_wait3A_84 = tpu.memref_squeeze %dma_wait3A_83 : memref<1x100xi32, #tpu.memory_space<vmem>> -> memref<100xi32, #tpu.memory_space<vmem>>
      %dma_wait3A_85 = arith.constant 0 : i32
      %dma_wait3A_86 = arith.constant 0 : i32
      %dma_wait3A_87 = tpu.memref_slice %arg2[%dma_wait3A_85, %dma_wait3A_86] : memref<9216x128xf32, #tpu.memory_space<hbm>> -> memref<9216x128xf32, #tpu.memory_space<hbm>>
      tpu.wait_indirect_dma semaphore(%arg8 : memref<!tpu.dma_semaphore, #tpu.memory_space<semaphore_mem>>) src(%dma_wait3A_87 : memref<9216x128xf32, #tpu.memory_space<hbm>>) dst(%dma_wait3A_81 : memref<100x128xf32, #tpu.memory_space<vmem>>)
      %dma_start3A_88 = arith.constant 4 : i32
      %dma_start3A_89 = arith.constant 103 : i32
      %dma_start3A_90 = arith.constant 0 : i32
      %dma_start3A_91 = tpu.memref_slice %arg7[%dma_start3A_89, %dma_start3A_90] : memref<203x128xf32, #tpu.memory_space<vmem>> -> memref<100x128xf32, #tpu.memory_space<vmem>>
      %dma_start3A_92 = arith.constant 0 : i32
      %dma_start3A_93 = tpu.memref_slice %arg6[%dma_start3A_88, %dma_start3A_92] : memref<6x100xi32, #tpu.memory_space<vmem>> -> memref<1x100xi32, #tpu.memory_space<vmem>>
      %dma_start3A_94 = tpu.memref_squeeze %dma_start3A_93 : memref<1x100xi32, #tpu.memory_space<vmem>> -> memref<100xi32, #tpu.memory_space<vmem>>
      %dma_start3A_95 = arith.constant 0 : i32
      %dma_start3A_96 = arith.constant 0 : i32
      %dma_start3A_97 = tpu.memref_slice %arg2[%dma_start3A_95, %dma_start3A_96] : memref<9216x128xf32, #tpu.memory_space<hbm>> -> memref<9216x128xf32, #tpu.memory_space<hbm>>
      tpu.enqueue_indirect_dma source(%dma_start3A_97 : memref<9216x128xf32, #tpu.memory_space<hbm>>) target(%dma_start3A_91 : memref<100x128xf32, #tpu.memory_space<vmem>>) offsets(%dma_start3A_94 : memref<100xi32, #tpu.memory_space<vmem>>) semaphore(%arg8 : memref<!tpu.dma_semaphore, #tpu.memory_space<semaphore_mem>>) {add = true}
      %dma_wait3A_98 = arith.constant 4 : i32
      %dma_wait3A_99 = arith.constant 103 : i32
      %dma_wait3A_100 = arith.constant 0 : i32
      %dma_wait3A_101 = tpu.memref_slice %arg7[%dma_wait3A_99, %dma_wait3A_100] : memref<203x128xf32, #tpu.memory_space<vmem>> -> memref<100x128xf32, #tpu.memory_space<vmem>>
      %dma_wait3A_102 = arith.constant 0 : i32
      %dma_wait3A_103 = tpu.memref_slice %arg6[%dma_wait3A_98, %dma_wait3A_102] : memref<6x100xi32, #tpu.memory_space<vmem>> -> memref<1x100xi32, #tpu.memory_space<vmem>>
      %dma_wait3A_104 = tpu.memref_squeeze %dma_wait3A_103 : memref<1x100xi32, #tpu.memory_space<vmem>> -> memref<100xi32, #tpu.memory_space<vmem>>
      %dma_wait3A_105 = arith.constant 0 : i32
      %dma_wait3A_106 = arith.constant 0 : i32
      %dma_wait3A_107 = tpu.memref_slice %arg2[%dma_wait3A_105, %dma_wait3A_106] : memref<9216x128xf32, #tpu.memory_space<hbm>> -> memref<9216x128xf32, #tpu.memory_space<hbm>>
      tpu.wait_indirect_dma semaphore(%arg8 : memref<!tpu.dma_semaphore, #tpu.memory_space<semaphore_mem>>) src(%dma_wait3A_107 : memref<9216x128xf32, #tpu.memory_space<hbm>>) dst(%dma_wait3A_101 : memref<100x128xf32, #tpu.memory_space<vmem>>)
      %dma_start3A_108 = arith.constant 5 : i32
      %dma_start3A_109 = arith.constant 103 : i32
      %dma_start3A_110 = arith.constant 0 : i32
      %dma_start3A_111 = tpu.memref_slice %arg7[%dma_start3A_109, %dma_start3A_110] : memref<203x128xf32, #tpu.memory_space<vmem>> -> memref<100x128xf32, #tpu.memory_space<vmem>>
      %dma_start3A_112 = arith.constant 0 : i32
      %dma_start3A_113 = tpu.memref_slice %arg6[%dma_start3A_108, %dma_start3A_112] : memref<6x100xi32, #tpu.memory_space<vmem>> -> memref<1x100xi32, #tpu.memory_space<vmem>>
      %dma_start3A_114 = tpu.memref_squeeze %dma_start3A_113 : memref<1x100xi32, #tpu.memory_space<vmem>> -> memref<100xi32, #tpu.memory_space<vmem>>
      %dma_start3A_115 = arith.constant 0 : i32
      %dma_start3A_116 = arith.constant 0 : i32
      %dma_start3A_117 = tpu.memref_slice %arg2[%dma_start3A_115, %dma_start3A_116] : memref<9216x128xf32, #tpu.memory_space<hbm>> -> memref<9216x128xf32, #tpu.memory_space<hbm>>
      tpu.enqueue_indirect_dma source(%dma_start3A_117 : memref<9216x128xf32, #tpu.memory_space<hbm>>) target(%dma_start3A_111 : memref<100x128xf32, #tpu.memory_space<vmem>>) offsets(%dma_start3A_114 : memref<100xi32, #tpu.memory_space<vmem>>) semaphore(%arg8 : memref<!tpu.dma_semaphore, #tpu.memory_space<semaphore_mem>>) {add = true}
      %dma_wait3A_118 = arith.constant 5 : i32
      %dma_wait3A_119 = arith.constant 103 : i32
      %dma_wait3A_120 = arith.constant 0 : i32
      %dma_wait3A_121 = tpu.memref_slice %arg7[%dma_wait3A_119, %dma_wait3A_120] : memref<203x128xf32, #tpu.memory_space<vmem>> -> memref<100x128xf32, #tpu.memory_space<vmem>>
      %dma_wait3A_122 = arith.constant 0 : i32
      %dma_wait3A_123 = tpu.memref_slice %arg6[%dma_wait3A_118, %dma_wait3A_122] : memref<6x100xi32, #tpu.memory_space<vmem>> -> memref<1x100xi32, #tpu.memory_space<vmem>>
      %dma_wait3A_124 = tpu.memref_squeeze %dma_wait3A_123 : memref<1x100xi32, #tpu.memory_space<vmem>> -> memref<100xi32, #tpu.memory_space<vmem>>
      %dma_wait3A_125 = arith.constant 0 : i32
      %dma_wait3A_126 = arith.constant 0 : i32
      %dma_wait3A_127 = tpu.memref_slice %arg2[%dma_wait3A_125, %dma_wait3A_126] : memref<9216x128xf32, #tpu.memory_space<hbm>> -> memref<9216x128xf32, #tpu.memory_space<hbm>>
      tpu.wait_indirect_dma semaphore(%arg8 : memref<!tpu.dma_semaphore, #tpu.memory_space<semaphore_mem>>) src(%dma_wait3A_127 : memref<9216x128xf32, #tpu.memory_space<hbm>>) dst(%dma_wait3A_121 : memref<100x128xf32, #tpu.memory_space<vmem>>)
      %dma_start3A_128 = arith.constant 0 : i32
      %dma_start3A_129 = arith.constant 0 : i32
      %dma_start3A_130 = tpu.memref_slice %arg5[%add3A_9, %dma_start3A_128, %dma_start3A_129] : memref<4096x203x128xf32, #tpu.memory_space<hbm>> -> memref<1x203x128xf32, #tpu.memory_space<hbm>>
      %dma_start3A_131 = tpu.memref_squeeze %dma_start3A_130 : memref<1x203x128xf32, #tpu.memory_space<hbm>> -> memref<203x128xf32, #tpu.memory_space<hbm>>
      %dma_start3A_132 = arith.constant 0 : i32
      %dma_start3A_133 = arith.constant 0 : i32
      %dma_start3A_134 = tpu.memref_slice %arg5[%add3A_9, %dma_start3A_132, %dma_start3A_133] : memref<4096x203x128xf32, #tpu.memory_space<hbm>> -> memref<1x203x128xf32, #tpu.memory_space<hbm>>
      %dma_start3A_135 = tpu.memref_squeeze %dma_start3A_134 : memref<1x203x128xf32, #tpu.memory_space<hbm>> -> memref<203x128xf32, #tpu.memory_space<hbm>>
      tpu.enqueue_dma source(%arg7 : memref<203x128xf32, #tpu.memory_space<vmem>>) target(%dma_start3A_135 : memref<203x128xf32, #tpu.memory_space<hbm>>) target_semaphore(%arg9 : memref<!tpu.dma_semaphore, #tpu.memory_space<semaphore_mem>>)
      %dma_wait3A_136 = arith.constant 0 : i32
      %dma_wait3A_137 = arith.constant 0 : i32
      %dma_wait3A_138 = tpu.memref_slice %arg5[%add3A_9, %dma_wait3A_136, %dma_wait3A_137] : memref<4096x203x128xf32, #tpu.memory_space<hbm>> -> memref<1x203x128xf32, #tpu.memory_space<hbm>>
      %dma_wait3A_139 = tpu.memref_squeeze %dma_wait3A_138 : memref<1x203x128xf32, #tpu.memory_space<hbm>> -> memref<203x128xf32, #tpu.memory_space<hbm>>
      %dma_wait3A_140 = arith.constant 0 : i32
      %dma_wait3A_141 = arith.constant 0 : i32
      %dma_wait3A_142 = tpu.memref_slice %arg5[%add3A_9, %dma_wait3A_140, %dma_wait3A_141] : memref<4096x203x128xf32, #tpu.memory_space<hbm>> -> memref<1x203x128xf32, #tpu.memory_space<hbm>>
      %dma_wait3A_143 = tpu.memref_squeeze %dma_wait3A_142 : memref<1x203x128xf32, #tpu.memory_space<hbm>> -> memref<203x128xf32, #tpu.memory_space<hbm>>
      tpu.wait_dma2 semaphore(%arg9 : memref<!tpu.dma_semaphore, #tpu.memory_space<semaphore_mem>>) src(%arg7 : memref<203x128xf32, #tpu.memory_space<vmem>>) dst(%dma_wait3A_143 : memref<203x128xf32, #tpu.memory_space<hbm>>)
    }
    %scan3A_7 = arith.constant 128 : i32
    return
  }
}

module attributes {stable_mosaic.version = 14 : i64} {
  func.func @_table_body(%arg0: memref<3072x32xf32, #tpu.memory_space<vmem>>, %arg1: memref<3x32x128xf32, #tpu.memory_space<vmem>>, %arg2: memref<3x3072x128xf32, #tpu.memory_space<vmem>>) attributes {dimension_semantics = [], scalar_prefetch = 0 : i64, scratch_operands = 0 : i64, tpu.core_type = #tpu.core_type<tc>} {
    %get3A = arith.constant 0 : index
    %get3A_0 = arith.constant 0 : index
    %get3A_1 = vector.load %arg0[%get3A, %get3A_0] : memref<3072x32xf32, #tpu.memory_space<vmem>>, vector<3072x32xf32>
    %get3A_2 = arith.constant 0 : index
    %get3A_3 = arith.constant 0 : index
    %get3A_4 = arith.constant 0 : index
    %get3A_5 = vector.load %arg1[%get3A_2, %get3A_3, %get3A_4] : memref<3x32x128xf32, #tpu.memory_space<vmem>>, vector<1x32x128xf32>
    %get3A_6 = vector.shape_cast %get3A_5 : vector<1x32x128xf32> to vector<32x128xf32>
    %dot_general3A = arith.constant dense<0.000000e+00> : vector<3072x128xf32>
    %dot_general3A_7 = tpu.matmul %get3A_1, %get3A_6, %dot_general3A {dimension_numbers = #tpu.dot_dimension_numbers<[1], [0], [0], [1], [0, 0, 1, 1], [], []>, transpose_lhs_hint = false} : vector<3072x32xf32>, vector<32x128xf32>, vector<3072x128xf32> -> vector<3072x128xf32>
    %swap3A = arith.constant 0 : index
    %swap3A_8 = arith.constant 0 : index
    %swap3A_9 = arith.constant 0 : index
    %swap3A_10 = vector.load %arg2[%swap3A, %swap3A_8, %swap3A_9] : memref<3x3072x128xf32, #tpu.memory_space<vmem>>, vector<1x3072x128xf32>
    %swap3A_11 = vector.shape_cast %swap3A_10 : vector<1x3072x128xf32> to vector<3072x128xf32>
    %swap3A_12 = vector.shape_cast %dot_general3A_7 : vector<3072x128xf32> to vector<1x3072x128xf32>
    tpu.vector_store %arg2[%swap3A, %swap3A_8, %swap3A_9], %swap3A_12 {strides = array<i32>} : memref<3x3072x128xf32, #tpu.memory_space<vmem>>, vector<1x3072x128xf32>,
    %get3A_13 = arith.constant 1 : index
    %get3A_14 = arith.constant 0 : index
    %get3A_15 = arith.constant 0 : index
    %get3A_16 = vector.load %arg1[%get3A_13, %get3A_14, %get3A_15] : memref<3x32x128xf32, #tpu.memory_space<vmem>>, vector<1x32x128xf32>
    %get3A_17 = vector.shape_cast %get3A_16 : vector<1x32x128xf32> to vector<32x128xf32>
    %dot_general3A_18 = arith.constant dense<0.000000e+00> : vector<3072x128xf32>
    %dot_general3A_19 = tpu.matmul %get3A_1, %get3A_17, %dot_general3A_18 {dimension_numbers = #tpu.dot_dimension_numbers<[1], [0], [0], [1], [0, 0, 1, 1], [], []>, transpose_lhs_hint = false} : vector<3072x32xf32>, vector<32x128xf32>, vector<3072x128xf32> -> vector<3072x128xf32>
    %swap3A_20 = arith.constant 1 : index
    %swap3A_21 = arith.constant 0 : index
    %swap3A_22 = arith.constant 0 : index
    %swap3A_23 = vector.load %arg2[%swap3A_20, %swap3A_21, %swap3A_22] : memref<3x3072x128xf32, #tpu.memory_space<vmem>>, vector<1x3072x128xf32>
    %swap3A_24 = vector.shape_cast %swap3A_23 : vector<1x3072x128xf32> to vector<3072x128xf32>
    %swap3A_25 = vector.shape_cast %dot_general3A_19 : vector<3072x128xf32> to vector<1x3072x128xf32>
    tpu.vector_store %arg2[%swap3A_20, %swap3A_21, %swap3A_22], %swap3A_25 {strides = array<i32>} : memref<3x3072x128xf32, #tpu.memory_space<vmem>>, vector<1x3072x128xf32>,
    %get3A_26 = arith.constant 2 : index
    %get3A_27 = arith.constant 0 : index
    %get3A_28 = arith.constant 0 : index
    %get3A_29 = vector.load %arg1[%get3A_26, %get3A_27, %get3A_28] : memref<3x32x128xf32, #tpu.memory_space<vmem>>, vector<1x32x128xf32>
    %get3A_30 = vector.shape_cast %get3A_29 : vector<1x32x128xf32> to vector<32x128xf32>
    %dot_general3A_31 = arith.constant dense<0.000000e+00> : vector<3072x128xf32>
    %dot_general3A_32 = tpu.matmul %get3A_1, %get3A_30, %dot_general3A_31 {dimension_numbers = #tpu.dot_dimension_numbers<[1], [0], [0], [1], [0, 0, 1, 1], [], []>, transpose_lhs_hint = false} : vector<3072x32xf32>, vector<32x128xf32>, vector<3072x128xf32> -> vector<3072x128xf32>
    %swap3A_33 = arith.constant 2 : index
    %swap3A_34 = arith.constant 0 : index
    %swap3A_35 = arith.constant 0 : index
    %swap3A_36 = vector.load %arg2[%swap3A_33, %swap3A_34, %swap3A_35] : memref<3x3072x128xf32, #tpu.memory_space<vmem>>, vector<1x3072x128xf32>
    %swap3A_37 = vector.shape_cast %swap3A_36 : vector<1x3072x128xf32> to vector<3072x128xf32>
    %swap3A_38 = vector.shape_cast %dot_general3A_32 : vector<3072x128xf32> to vector<1x3072x128xf32>
    tpu.vector_store %arg2[%swap3A_33, %swap3A_34, %swap3A_35], %swap3A_38 {strides = array<i32>} : memref<3x3072x128xf32, #tpu.memory_space<vmem>>, vector<1x3072x128xf32>,
    return
  }
}

</mosaic_0001>

<sc_bundles>
// kernel: kernel.4.cloned.1.call-start
scs
__scs_entry_jumppad:
0x0: {  	(pc) =	sbr.rel $0x88, $3  }
0x1: {  	(tag) =	ssettag $0x0;
	lr =	simm.s32 $0x1  }
0x2: {  	[smem:$0x3F9D] =	sst lr;
	_ =	strace $0xD0000000  }
0x3: {  	_ = 	snop  }
0x4: {  	_ = 	snop  }
0x5: {  	_ = 	snop  }
0x6: {  	_ = 	snop  }
0x7: {  	_ = 	snop  }
__scs_overlays_trampoline_lowered:
0x8: {  	[smem:$0x3FAC] =	sst s0  }
0x9: {  	[smem:$0x3FAD] =	sst s1  }
0xa: {  	[smem:$0x3FAE] =	sst s2  }
0xb: {  	[smem:$0x3FAF] =	sst s3  }
0xc: {  	[smem:$0x3FB0] =	sst s4  }
0xd: {  	[smem:$0x3FB1] =	sst s5  }
0xe: {  	[smem:$0x3FB2] =	sst s6  }
0xf: {  	[smem:$0x3FB3] =	sst s7  }
0x10: {  	[smem:$0x3FB4] =	sst s8  }
0x11: {  	[smem:$0x3FB5] =	sst s9;
	s0 =	simm.s32 @!p0 $0x0  }
0x12: {  	s1 =	sld [smem:$0x3F9B];
	s0 =	simm.s32 @p0 $0x1  }
0x13: {  	[smem:$0x3FB6] =	sst s0;
	s0 =	simm.s32 @!p1 $0x0  }
0x14: {  	s2 =	sld [smem:$0x3F9A];
	s0 =	simm.s32 @p1 $0x1  }
0x15: {  	[smem:$0x3FB7] =	sst s0;
	s0 =	simm.s32 @!p2 $0x0  }
0x16: {  	s3 =	sld [smem:$0x3FDB];
	s0 =	simm.s32 @p2 $0x1  }
0x17: {  	s4 =	simm.s32 $0x1BF5;
	[smem:$0x3FB9] =	sst s0  }
0x18: {  	s0 =	sld [smem:$0x3F9C];
	_ =	swait.ge [sflag:s4], $0x0  }
0x19: {  	s7 =	sld [smem:$0x3F9D]  }
0x1a: {  	s8 =	sadd.s32 $0xFFFFE003, lr  }
0x1b: {  	s9 =	sadd.s32 $0xFFFFFEF7, lr;
	s5 =	simm.s32 $0xFFFFFFFF;
	p2 =	slt.u32 s8, $0xFFFFF086  }
0x1c: {  	p1 =	slt.u32 s9, $0xF7A;
	s5 =	simm.s32 @!p2 $0x0  }
0x1d: {  	s5 =	simm.s32 @p1 $0x1;
	p0 =	seq.s32 s7, s2  }
0x1e: {  	s7 =	smul.u32 @!p0 $0xF7A, s2;
	p2 =	seq.s32 @!p0 s5, $0x0  }
0x1f: {  	s9 =	smul.u32 $0xF7A, s1;
	s8 =	simm.s32 @!p0 $0x1BF5;
	p2 =	por !p2, p0  }
0x20: {  	[sflag:s8] =	ssyncset.s32 @!p0 $0xFFFFF086;
	s6 =	sadd.s32 @!p0 s3, s7;
	s7 =	simm.s32 @!p0 $0x108  }
0x21: {  	s3 =	sadd.s32 s3, s9;
	s6 =	sadd.s32 @!p0 $0x88, s6;
	s7 =	simm.s32 @p2 $0x1082  }
0x22: {  	[simem:s7], [sflag:s8] =	dma.local @!p0 [hbm:s6], $0xF7A  }
0x23: {  	s9 =	sor.u32 $0xD0000000, s2;
	s6 =	simm.s32 $0x108;
	_ =	swait.ge @!p0 [sflag:s8], $0x0  }
0x24: {  	s3 =	sadd.s32 $0x88, s3;
	s6 =	simm.s32 @!p1 $0x1082;
	[sflag:s4] =	ssyncset.s32 $0xFFFFF086  }
0x25: {  	[simem:s6], [sflag:s4] =	dma.local [hbm:s3], $0xF7A  }
0x26: {  	[smem:$0x3F9D] =	sst s1;
	(tag) =	ssettag s2;
	_ =	strace s9  }
0x27: {  	s1 =	sld [smem:$0x3FAD]  }
0x28: {  	s2 =	sld [smem:$0x3FAE]  }
0x29: {  	s4 =	sld [smem:$0x3FB0]  }
0x2a: {  	p0 =	seq.s32 s5, $0x0;
	s5 =	sld [smem:$0x3FB1]  }
0x2b: {  	s6 =	sld [smem:$0x3FB2]  }
0x2c: {  	s7 =	sld [smem:$0x3FB3]  }
0x2d: {  	s3 =	simm.s32 $0x108;
	s8 =	sld [smem:$0x3FB4]  }
0x2e: {  	s3 =	simm.s32 @!p0 $0x1082;
	s9 =	sld [smem:$0x3FB5]  }
0x2f: {  	lr =	sadd.s32 s0, s3;
	s0 =	sld [smem:$0x3FAC]  }
0x30: {  	s3 =	sld [smem:$0x3FAF]  }
0x31: {  	[smem:$0x3FB8] =	sst s10  }
0x32: {  	s10 =	sld [smem:$0x3FB6];
	_ =	sdelay $0x3  }
0x33: {  	p0 =	seq.s32 s10, $0x1;
	s10 =	sld [smem:$0x3FB8];
	_ =	sdelay $0x3  }
0x34: {  	[smem:$0x3FB8] =	sst s10  }
0x35: {  	s10 =	sld [smem:$0x3FB7];
	_ =	sdelay $0x3  }
0x36: {  	p1 =	seq.s32 s10, $0x1;
	s10 =	sld [smem:$0x3FB8];
	_ =	sdelay $0x3  }
0x37: {  	[smem:$0x3FB8] =	sst s10  }
0x38: {  	s10 =	sld [smem:$0x3FB9]  }
0x39: {  	_ = 	snop;
	(pc) =	sbr.ind lr, $3  }
0x3a: {  	_ = 	snop  }
0x3b: {  	_ = 	snop  }
0x3c: {  	p2 =	seq.s32 s10, $0x1;
	s10 =	sld [smem:$0x3FB8]  }
0x3d: {  	_ =	shalt  }
0x3e: {  	_ =	shalt  }
0x3f: {  	_ =	shalt  }
0x40: {  	_ =	shalt  }
0x41: {  	_ =	shalt  }
0x42: {  	_ =	shalt  }
0x43: {  	_ =	shalt  }
0x44: {  	_ =	shalt  }
0x45: {  	_ =	shalt  }
0x46: {  	_ =	shalt  }
0x47: {  	_ =	shalt  }
0x48: {  	_ =	shalt  }
0x49: {  	_ =	shalt  }
0x4a: {  	_ =	shalt  }
0x4b: {  	_ =	shalt  }
0x4c: {  	_ =	shalt  }
0x4d: {  	_ =	shalt  }
0x4e: {  	_ =	shalt  }
0x4f: {  	_ =	shalt  }
0x50: {  	_ =	shalt  }
0x51: {  	_ =	shalt  }
0x52: {  	_ =	shalt  }
0x53: {  	_ =	shalt  }
0x54: {  	_ =	shalt  }
0x55: {  	_ =	shalt  }
0x56: {  	_ =	shalt  }
0x57: {  	_ =	shalt  }
0x58: {  	_ =	shalt  }
0x59: {  	_ =	shalt  }
0x5a: {  	_ =	shalt  }
0x5b: {  	_ =	shalt  }
0x5c: {  	_ =	shalt  }
0x5d: {  	_ =	shalt  }
0x5e: {  	_ =	shalt  }
0x5f: {  	_ =	shalt  }
0x60: {  	_ =	shalt  }
0x61: {  	_ =	shalt  }
0x62: {  	_ =	shalt  }
0x63: {  	_ =	shalt  }
0x64: {  	_ =	shalt  }
0x65: {  	_ =	shalt  }
0x66: {  	_ =	shalt  }
0x67: {  	_ =	shalt  }
0x68: {  	_ =	shalt  }
0x69: {  	_ =	shalt  }
0x6a: {  	_ =	shalt  }
0x6b: {  	_ =	shalt  }
0x6c: {  	_ =	shalt  }
0x6d: {  	_ =	shalt  }
0x6e: {  	_ =	shalt  }
0x6f: {  	_ =	shalt  }
0x70: {  	_ =	shalt  }
0x71: {  	_ =	shalt  }
0x72: {  	_ =	shalt  }
0x73: {  	_ =	shalt  }
0x74: {  	_ =	shalt  }
0x75: {  	_ =	shalt  }
0x76: {  	_ =	shalt  }
0x77: {  	_ =	shalt  }
0x78: {  	_ =	shalt  }
0x79: {  	_ =	shalt  }
0x7a: {  	_ =	shalt  }
0x7b: {  	_ =	shalt  }
0x7c: {  	_ =	shalt  }
0x7d: {  	_ =	shalt  }
0x7e: {  	_ =	shalt  }
0x7f: {  	_ =	shalt  }
0x80: {  	_ =	shalt  }
0x81: {  	_ =	shalt  }
0x82: {  	_ =	shalt  }
0x83: {  	_ =	shalt  }
0x84: {  	_ =	shalt  }
0x85: {  	_ =	shalt  }
0x86: {  	_ =	shalt  }
0x87: {  	_ =	shalt  }
.Lfunc_end0:
.L_simem_size_0:
called_computation_lowered:
.L_overlay_start_0:
0x88: {  	s2 =	sld [smem:$0x3FD9]  }
0x89: {  	s3 =	sld [smem:$0x3FFE];
	_ =	sdelay $0x1  }
0x8a: {  	s1 =	srdreg.scid  }
0x8b: {  	s0 =	sand.u32 $0x1, s1  }
0x8c: {  	s17 =	sshll.u32 s0, $0xA;
	s2 =	sadd.s32 s3, s2  }
0x8d: {  	s2 =	sadd.s32 s2, s17  }
0x8e: {  	[smem:$0x3FC4] =	sst s2  }
0x8f: {  	_ = 	snop  }
0x90: {  	s2 =	sld [smem:$0x3FC8]  }
0x91: {  	s18 =	sld [smem:$0x3FD0];
	(tm) =	ssettm $0x1  }
0x92: {  	s4 =	sld [smem:$0x3FFB];
	_ =	sdelay $0x3  }
0x93: {  	_ =	strace s4  }
0x94: {  	s4 =	sld [smem:$0x3FFC];
	_ =	sdelay $0x3  }
0x95: {  	_ =	strace s4  }
0x96: {  	s4 =	sld [smem:$0x3FFD];
	_ =	sdelay $0x3  }
0x97: {  	_ =	strace s4  }
0x98: {  	_ =	strace $0x8FFFFFFF  }
0x99: {  	s19 =	sld [smem:$0x3FDB];
	_ =	sdelay $0x1  }
0x9a: {  	s5 =	simm.s32 $_scs_section_size  }
0x9b: {  	s6 =	simm.s32 $_size__tile_overlayer_lowered;
	s7 =	simm.s32 $_tile_overlayer_lowered  }
0x9c: {  	s22 =	simm.s32 $0x1BFF;
	s21 =	sshll.u32 s7, $0x1;
	s4 =	sadd.s32 s5, s19  }
0x9d: {  	s8 =	simm.s32 $0x0;
	s20 =	sshll.u32 s6, $0x1;
	s6 =	sadd.s32 s21, s4  }
0x9e: {  	[timem:s8], [sflag:s22] =	dma.local [hbm:s6], s20  }
0x9f: {  	_ =	swait.ge [sflag:s22], s20  }
0xa0: {  	s5 =	ssub.s32 $0x0, s20;
	[sflag:s22] =	ssyncset.done $0x0  }
0xa1: {  	[sflag:s22] =	ssyncadd.s32 s5;
	_ =	sdelay $0x1  }
0xa2: {  	s23 =	simm.s32 $0x1B8B  }
0xa3: {  	_ =	swait.ge [sflag:s23], $0x1  }
0xa4: {  	[sflag:s23] =	ssyncset.done $0x0  }
0xa5: {  	s25 =	simm.s32 $0x1B8E;
	s24 =	sld [smem:$0x3FFE];
	[sflag:s23] =	ssyncadd.s32 $0xFFFFFFFF  }
0xa6: {  	s26 =	simm.s32 $execute0_lowered;
	[smem:$0x3FD2] =	sst s25  }
0xa7: {  	s6 =	sshll.u32 s26, $0x1;
	_ =	strace $0x80000046;
	[dreg:$0x1] =	wrdreg $0xFFFFFFFF  }
0xa8: {  	s28 =	simm.s32 $_size_execute0_lowered;
	s4 =	sadd.s32 s4, s6;
	[dreg:$0x0] =	wrdreg $0x0  }
0xa9: {  	s6 =	sshll.u32 s28, $0x1;
	[dreg:$0x2] =	wrdreg s4  }
0xaa: {  	[dreg:$0x3] =	wrdreg s6  }
0xab: {  	[dreg:$0x4] =	wrdreg $0xC0  }
0xac: {  	_ =	task [dreg:s8], $0x5FFFF  }
0xad: {  	[dreg:$0x1] =	wrdreg $0xFFFFFFFF  }
0xae: {  	[dreg:$0x0] =	wrdreg $0x60  }
0xaf: {  	[dreg:$0x2] =	wrdreg s24  }
0xb0: {  	[dreg:$0x3] =	wrdreg s2  }
0xb1: {  	[dreg:$0x4] =	wrdreg s18  }
0xb2: {  	[dreg:$0x5] =	wrdreg $0x9  }
0xb3: {  	_ =	task.clear_ibuf [dreg:s8], $0x6FFFF;
	_ =	strace $0x90000046  }
0xb4: {  	s29 =	simm.s32 $0x9;
	_ =	strace $0x80000048  }
0xb5: {  	_ =	swait.ge [sflag:s29], $0x1  }
0xb6: {  	[sflag:s29] =	ssyncadd.s32 $0xFFFFFFFF  }
0xb7: {  	_ =	strace $0x90000048  }
0xb8: {  	_ =	sfence  }
0xb9: {  	s30 =	sld [smem:$0x0];
	_ =	sdelay $0x2  }
0xba: {  	s31 =	sshll.u32 s1, $0xD;
	s1 =	sshrl.u32 s1, $0x2  }
0xbb: {  	s3 =	sand.u32 $0x4000, s31;
	s1 =	sadd.s32 s1, s30  }
0xbc: {  	s0 =	sor.u32 s3, s0;
	s1 =	sshll.u32 s1, $0x11  }
0xbd: {  	s0 =	sor.u32 s1, s0  }
0xbe: {  	s0 =	sadd.s32 $0x8F2B, s0  }
0xbf: {  	[sflag:s0] =	ssyncadd.remote.s32 $0x1  }
0xc0: {  	_ =	sfence.sel $0xFFFF  }
0xc1: {  	[dreg:$0x0] =	wrdreg $0xFFFFFFFF;
	(pc) =	sbr.abs _section_cstart, $3  }
0xc2: {  	[dreg:$0x1] =	wrdreg $0xFFFFFFFF  }
0xc3: {  	_ =	task.clear_ibuf [dreg:s8], $0x2FFFF;
	_ =	strace $0x9FFFFFFF  }
0xc4: {  	(tm) =	ssettm $0x7FFFFFFF  }
0xc5: {  	_ =	shalt  }
tec
execute0_lowered:
.L_overlay_start_1:
0x0: {  	(tag) =	ssettag $0x1  }
0x1: {  	s5 =	rddreg [dreg:$0x0]  }
0x2: {  	s1 =	rddreg [dreg:$0x1]  }
0x3: {  	s6 =	rddreg [dreg:$0x2];
	s2 =	srdreg.scid  }
0x4: {  	s0 =	rddreg [dreg:$0x3];
	s3 =	simm.s32 $0x0;
	s11 =	simm.s32 $0x580  }
0x5: {  	s12 =	simm.s32 $0x1;
	s13 =	simm.s32 $0x80;
	s14 =	simm.s32 $0x100  }
0x6: {  	s15 =	simm.s32 $0x180;
	s16 =	simm.s32 $0x3780;
	s17 =	simm.s32 $0x200  }
0x7: {  	s18 =	simm.s32 $0x280;
	s19 =	simm.s32 $0x2;
	s20 =	simm.s32 $0x0  }
0x8: {  	s7 =	sand.u32 $0x1, s2;
	[smem:$0x7FF] =	sst s3;
	s2 =	stileid.u32  }
0x9: {  	s4 =	sadd.s32 $0x800, s5;
	s8 =	ssub.s32 $0x2, s7;
	s9 =	smul.u32 $0xD0000, s2  }
0xa: {  	_ =	strace $0x80000047;
	s29 =	smul.u32 $0x68000, s7;
	s30 =	sshll.u32 s2, $0xF  }
0xb: {  	s7 =	sshll.u32 s7, $0xE;
	s10 =	sshrl.u32 s8, $0x1;
	s6 =	sadd.s32 s30, s6  }
0xc: {  	s8 =	ssub.s32 s8, s10;
	s9 =	sadd.s32 s9, s5;
	s6 =	sadd.s32 s7, s6  }
0xd: {  	s10 =	simm.s32 $0x64;
	s5 =	smax.u32 s8, $0x1;
	s31 =	sadd.s32 s29, s9  }
0xe: {  	s8 =	simm.s32 $0x400;
	s9 =	simm.s32 $0x3;
	s7 =	sadd.s32 $0x24800, s31  }
.LBB2_1:
0xf: {  	[tilespmem:s8], [sflag:$0x3] =	stream.linear.gather [hbm4b:s1+s3], $0x180, $0x38;
	[tilespmem:$0x6C00] =	vst v63  }
0x10: {  	_ =	swait.ge [sflag:s9], $0x180  }
0x11: {  	[sflag:s9] =	ssyncset.done $0x0  }
0x12: {  	s21 =	sadd.s32 $0x0, s6;
	[sflag:s9] =	ssyncadd.s32 $0xFFFFFE80  }
0x13: {  	[tilespmem:s3], [sflag:$0x3] =	stream.linear.gather [hbm4b:s21+s3], $0x300, $0x38;
	[tilespmem:$0x6C00] =	vst v63  }
0x14: {  	_ =	swait.ge [sflag:s9], $0x300  }
0x15: {  	[sflag:s9] =	ssyncset.done $0x0  }
0x16: {  	[sflag:s9] =	ssyncadd.s32 $0xFFFFFD00  }
0x17: {  	[tilespmem:s11], [sflag:$0x1] =	stream.indirect.gather [hbm4b:s4+s10], $0x80, s3, s10, $0xb8;
	[tilespmem:$0x6C00] =	vst v63  }
0x18: {  	_ =	swait.ge [sflag:s12], $0x3200  }
0x19: {  	[sflag:s12] =	ssyncset.done $0x0  }
0x1a: {  	[sflag:s12] =	ssyncadd.s32 $0xFFFFCE00  }
0x1b: {  	[tilespmem:s11], [sflag:$0x1] =	stream.indirect.gather.add.f32 [hbm:s4], $0x80, s13, s10, $0xb8;
	[tilespmem:$0x6C00] =	vst v63  }
0x1c: {  	_ =	swait.ge [sflag:s12], $0x3200  }
0x1d: {  	[sflag:s12] =	ssyncset.done $0x0  }
0x1e: {  	[sflag:s12] =	ssyncadd.s32 $0xFFFFCE00  }
0x1f: {  	[tilespmem:s11], [sflag:$0x1] =	stream.indirect.gather.add.f32 [hbm:s4], $0x80, s14, s10, $0xb8;
	[tilespmem:$0x6C00] =	vst v63  }
0x20: {  	_ =	swait.ge [sflag:s12], $0x3200  }
0x21: {  	[sflag:s12] =	ssyncset.done $0x0  }
0x22: {  	[sflag:s12] =	ssyncadd.s32 $0xFFFFCE00  }
0x23: {  	[tilespmem:s16], [sflag:$0x1] =	stream.indirect.gather [hbm4b:s4+s10], $0x80, s15, s10, $0xb8;
	[tilespmem:$0x6C00] =	vst v63  }
0x24: {  	_ =	swait.ge [sflag:s12], $0x3200  }
0x25: {  	[sflag:s12] =	ssyncset.done $0x0  }
0x26: {  	[sflag:s12] =	ssyncadd.s32 $0xFFFFCE00  }
0x27: {  	[tilespmem:s16], [sflag:$0x1] =	stream.indirect.gather.add.f32 [hbm:s4], $0x80, s17, s10, $0xb8;
	[tilespmem:$0x6C00] =	vst v63  }
0x28: {  	_ =	swait.ge [sflag:s12], $0x3200  }
0x29: {  	[sflag:s12] =	ssyncset.done $0x0  }
0x2a: {  	[sflag:s12] =	ssyncadd.s32 $0xFFFFCE00  }
0x2b: {  	[tilespmem:s16], [sflag:$0x1] =	stream.indirect.gather.add.f32 [hbm:s4], $0x80, s18, s10, $0xb8;
	[tilespmem:$0x6C00] =	vst v63  }
0x2c: {  	_ =	swait.ge [sflag:s12], $0x3200  }
0x2d: {  	[sflag:s12] =	ssyncset.done $0x0  }
0x2e: {  	[sflag:s12] =	ssyncadd.s32 $0xFFFFCE00  }
0x2f: {  	[hbm4b:s7+s3] =	stream.linear.scatter [tilespmem:s8], [sflag:$0x2], $0x6580, $0x38;
	[tilespmem:$0x6C00] =	vst v63  }
0x30: {  	s22 =	simm.s32 $0x80;
	_ =	swait.ge [sflag:s19], $0x6580  }
0x31: {  	s24 =	simm.s32 $0x100;
	s21 =	sadd.s32 $0xD00, s7;
	[sflag:s19] =	ssyncset.done $0x0  }
.LBB2_2:
0x32: {  	s25 =	sadd.s32 s22, s6  }
0x33: {  	[sflag:s19] =	ssyncadd.s32 $0xFFFF9A80;
	s22 =	smov.u32 s24;
	s23 =	sadd.s32 $0x80, s24  }
0x34: {  	[tilespmem:s3], [sflag:$0x3] =	stream.linear.gather [hbm4b:s25+s3], $0x300, $0x38;
	[tilespmem:$0x6C00] =	vst v63  }
0x35: {  	p0 =	sne.s32 s24, $0x3F80;
	_ =	swait.ge [sflag:s9], $0x300  }
0x36: {  	[sflag:s9] =	ssyncset.done $0x0  }
0x37: {  	[sflag:s9] =	ssyncadd.s32 $0xFFFFFD00  }
0x38: {  	[tilespmem:s11], [sflag:$0x1] =	stream.indirect.gather [hbm4b:s4+s10], $0x80, s3, s10, $0xb8;
	[tilespmem:$0x6C00] =	vst v63  }
0x39: {  	_ =	swait.ge [sflag:s12], $0x3200  }
0x3a: {  	[sflag:s12] =	ssyncset.done $0x0  }
0x3b: {  	[sflag:s12] =	ssyncadd.s32 $0xFFFFCE00  }
0x3c: {  	[tilespmem:s11], [sflag:$0x1] =	stream.indirect.gather.add.f32 [hbm:s4], $0x80, s13, s10, $0xb8;
	[tilespmem:$0x6C00] =	vst v63  }
0x3d: {  	_ =	swait.ge [sflag:s12], $0x3200  }
0x3e: {  	[sflag:s12] =	ssyncset.done $0x0  }
0x3f: {  	[sflag:s12] =	ssyncadd.s32 $0xFFFFCE00  }
0x40: {  	[tilespmem:s11], [sflag:$0x1] =	stream.indirect.gather.add.f32 [hbm:s4], $0x80, s14, s10, $0xb8;
	[tilespmem:$0x6C00] =	vst v63  }
0x41: {  	_ =	swait.ge [sflag:s12], $0x3200  }
0x42: {  	[sflag:s12] =	ssyncset.done $0x0  }
0x43: {  	[sflag:s12] =	ssyncadd.s32 $0xFFFFCE00  }
0x44: {  	[tilespmem:s16], [sflag:$0x1] =	stream.indirect.gather [hbm4b:s4+s10], $0x80, s15, s10, $0xb8;
	[tilespmem:$0x6C00] =	vst v63  }
0x45: {  	_ =	swait.ge [sflag:s12], $0x3200  }
0x46: {  	[sflag:s12] =	ssyncset.done $0x0  }
0x47: {  	[sflag:s12] =	ssyncadd.s32 $0xFFFFCE00  }
0x48: {  	[tilespmem:s16], [sflag:$0x1] =	stream.indirect.gather.add.f32 [hbm:s4], $0x80, s17, s10, $0xb8;
	[tilespmem:$0x6C00] =	vst v63  }
0x49: {  	_ =	swait.ge [sflag:s12], $0x3200  }
0x4a: {  	[sflag:s12] =	ssyncset.done $0x0  }
0x4b: {  	[sflag:s12] =	ssyncadd.s32 $0xFFFFCE00  }
0x4c: {  	[tilespmem:s16], [sflag:$0x1] =	stream.indirect.gather.add.f32 [hbm:s4], $0x80, s18, s10, $0xb8;
	[tilespmem:$0x6C00] =	vst v63  }
0x4d: {  	_ =	swait.ge [sflag:s12], $0x3200  }
.Ltmp0:
0x4e: {  	[sflag:s12] =	ssyncset.done $0x0;
	(pc) =	sbr.rel @p0 .LBB2_2-.Ltmp0, $4  }
0x4f: {  	[sflag:s12] =	ssyncadd.s32 $0xFFFFCE00  }
0x50: {  	[hbm4b:s21+s3] =	stream.linear.scatter [tilespmem:s8], [sflag:$0x2], $0x6580, $0x38;
	[tilespmem:$0x6C00] =	vst v63  }
0x51: {  	_ =	swait.ge [sflag:s19], $0x6580  }
0x52: {  	s24 =	smov.u32 s23;
	s21 =	sadd.s32 $0xD00, s21;
	[sflag:s19] =	ssyncset.done $0x0  }
0x53: {  	s22 =	sadd.s32 s22, s6;
	[sflag:s19] =	ssyncadd.s32 $0xFFFF9A80  }
0x54: {  	[tilespmem:s3], [sflag:$0x3] =	stream.linear.gather [hbm4b:s22+s3], $0x300, $0x38;
	[tilespmem:$0x6C00] =	vst v63  }
0x55: {  	_ =	swait.ge [sflag:s9], $0x300  }
0x56: {  	[sflag:s9] =	ssyncset.done $0x0  }
0x57: {  	[sflag:s9] =	ssyncadd.s32 $0xFFFFFD00  }
0x58: {  	[tilespmem:s11], [sflag:$0x1] =	stream.indirect.gather [hbm4b:s4+s10], $0x80, s3, s10, $0xb8;
	[tilespmem:$0x6C00] =	vst v63  }
0x59: {  	_ =	swait.ge [sflag:s12], $0x3200  }
0x5a: {  	[sflag:s12] =	ssyncset.done $0x0  }
0x5b: {  	[sflag:s12] =	ssyncadd.s32 $0xFFFFCE00  }
0x5c: {  	[tilespmem:s11], [sflag:$0x1] =	stream.indirect.gather.add.f32 [hbm:s4], $0x80, s13, s10, $0xb8;
	[tilespmem:$0x6C00] =	vst v63  }
0x5d: {  	_ =	swait.ge [sflag:s12], $0x3200  }
0x5e: {  	[sflag:s12] =	ssyncset.done $0x0  }
0x5f: {  	[sflag:s12] =	ssyncadd.s32 $0xFFFFCE00  }
0x60: {  	[tilespmem:s11], [sflag:$0x1] =	stream.indirect.gather.add.f32 [hbm:s4], $0x80, s14, s10, $0xb8;
	[tilespmem:$0x6C00] =	vst v63  }
0x61: {  	_ =	swait.ge [sflag:s12], $0x3200  }
0x62: {  	[sflag:s12] =	ssyncset.done $0x0  }
0x63: {  	[sflag:s12] =	ssyncadd.s32 $0xFFFFCE00  }
0x64: {  	[tilespmem:s16], [sflag:$0x1] =	stream.indirect.gather [hbm4b:s4+s10], $0x80, s15, s10, $0xb8;
	[tilespmem:$0x6C00] =	vst v63  }
0x65: {  	_ =	swait.ge [sflag:s12], $0x3200  }
0x66: {  	[sflag:s12] =	ssyncset.done $0x0  }
0x67: {  	[sflag:s12] =	ssyncadd.s32 $0xFFFFCE00  }
0x68: {  	[tilespmem:s16], [sflag:$0x1] =	stream.indirect.gather.add.f32 [hbm:s4], $0x80, s17, s10, $0xb8;
	[tilespmem:$0x6C00] =	vst v63  }
0x69: {  	_ =	swait.ge [sflag:s12], $0x3200  }
0x6a: {  	[sflag:s12] =	ssyncset.done $0x0  }
0x6b: {  	[sflag:s12] =	ssyncadd.s32 $0xFFFFCE00  }
0x6c: {  	[tilespmem:s16], [sflag:$0x1] =	stream.indirect.gather.add.f32 [hbm:s4], $0x80, s18, s10, $0xb8;
	[tilespmem:$0x6C00] =	vst v63  }
0x6d: {  	s20 =	sadd.s32 $0x1, s20;
	_ =	swait.ge [sflag:s12], $0x3200  }
0x6e: {  	p0 =	sne.s32 s20, s5;
	[sflag:s12] =	ssyncset.done $0x0  }
.Ltmp1:
0x6f: {  	[sflag:s12] =	ssyncadd.s32 $0xFFFFCE00;
	(pc) =	sbr.rel @p0 .LBB2_1-.Ltmp1, $4  }
0x70: {  	[hbm4b:s21+s3] =	stream.linear.scatter [tilespmem:s8], [sflag:$0x2], $0x6580, $0x38;
	[tilespmem:$0x6C00] =	vst v63  }
0x71: {  	_ =	swait.ge [sflag:s19], $0x6580  }
0x72: {  	[sflag:s19] =	ssyncset.done $0x0  }
0x73: {  	[sflag:s19] =	ssyncadd.s32 $0xFFFF9A80  }
0x74: {  	_ =	sfence.sel $0x180000  }
0x75: {  	[bflag:$0x0] =	sbarrier.arrive $0xFFFF  }
0x76: {  	p0 =	sne.s32 s2, $0x0;
	_ =	strace $0x90000047  }
0x77: {  	s0 =	sadd.s32 @!p0 $0x100000, s0;
	[bflag:$0x2] =	sbarrier.arrive $0xFFFF  }
0x78: {  	[sflag:s0] =	ssyncadd.tile.s32 @!p0 $0x1;
	_ =	shalt  }
.Lfunc_end2:
_tile_overlayer_lowered:
.L_overlay_start_2:
0x79: {  	(tag) =	ssettag $0x2  }
0x7a: {  	s0 =	rddreg [dreg:$0x0];
	s2 =	stileid.u32  }
0x7b: {  	s1 =	rddreg [dreg:$0x1];
	p0 =	sne.s32 s2, $0x0  }
0x7c: {  	s3 =	rddreg [dreg:$0x2];
	[bflag:$0x3] =	sbarrier.arrive $0xFFFF;
	s2 =	simm.s32 @!p0 $0x1C03  }
0x7d: {  	[timem:s3], [sflag:s2] =	dma.local @!p0 [hbm:s0], s1  }
0x7e: {  	s0 =	simm.s32 @!p0 $0x3  }
0x7f: {  	_ =	swait.ge @!p0 [sflag:s0], s1  }
0x80: {  	s1 =	ssub.s32 @!p0 $0x0, s1;
	[sflag:s0] =	ssyncset.done @!p0 $0x0  }
0x81: {  	[sflag:s0] =	ssyncadd.s32 @!p0 s1  }
0x82: {  	[bflag:$0x3] =	sbarrier.arrive $0xFFFF  }
0x83: {  	_ =	shalt  }

</sc_bundles>
